<compile_context>
chip_gen: v7x
topology: tpu7x:2x2x1
jax: 0.10.2.dev20260603
libtpu: 0.0.44.dev20260713+nightly
codegen_flags: <defaults>
</compile_context>

<pallas_src>
import functools

import jax
import jax.numpy as jnp
from jax import lax
from jax.experimental import pallas as pl
from jax.experimental.pallas import tpu as pltpu
from jax.experimental.pallas import tpu_sc as plsc

_Q = 1024
_D = 128
_NKEYS = 100000
_BK = 5000
_KB = 20
_TOPK = 3
_BIG_IDX = 2**30


def _build_topk_body(nkeys, bk, kb_total, topk):

    big_f = float(2.0 ** 30)

    def tile_topk(d2, iotaf, base_f):
        vals, idxs = [], []
        for t in range(topk):
            m = jnp.min(d2, axis=1, keepdims=True)
            sel = jnp.min(jnp.where(d2 == m, iotaf, big_f), axis=1,
                          keepdims=True)
            if t < topk - 1:
                d2 = jnp.where(iotaf == sel, jnp.inf, d2)
            vals.append(m)
            idxs.append(sel)
        td2 = jnp.concatenate(vals, axis=1)
        tidx = base_f + jnp.concatenate(idxs, axis=1)
        return td2, tidx

    def merge(d2s, idxs, td2, tidx):
        d2c = jnp.concatenate([d2s, td2], axis=1)
        idxc = jnp.concatenate([idxs, tidx], axis=1)
        nv, ni = [], []
        for t in range(topk):
            m = jnp.min(d2c, axis=1, keepdims=True)
            sel = jnp.min(jnp.where(d2c == m, idxc, big_f), axis=1,
                          keepdims=True)
            if t < topk - 1:
                d2c = jnp.where(idxc == sel, jnp.inf, d2c)
            nv.append(m)
            ni.append(sel)
        return jnp.concatenate(nv, axis=1), jnp.concatenate(ni, axis=1)

    def body(q_ref, khbm_ref, dist_ref, idx_ref, kbuf_ref, sem_ref):
        def copy_in(j, slot):
            return pltpu.make_async_copy(
                khbm_ref.at[pl.ds(j * bk, bk), :], kbuf_ref.at[slot],
                sem_ref.at[slot])

        copy_in(0, 0).start()
        q = q_ref[...]
        qm2 = q * -2.0
        q_sq = jnp.sum(q * q, axis=1, keepdims=True)
        iotaf = lax.broadcasted_iota(
            jnp.int32, (q.shape[0], bk), 1).astype(jnp.float32)

        def process(j, slot, carry):
            d2s, idxs = carry
            @pl.when(j + 1 < kb_total)
            def _():
                copy_in(j + 1, 1 - slot).start()
            copy_in(j, slot).wait()
            kt = kbuf_ref[slot]
            qk2 = lax.dot_general(qm2, kt, (((1,), (1,)), ((), ())),
                                  preferred_element_type=jnp.float32)
            k_sq = jnp.sum(kt * kt, axis=1)[None, :]
            d2 = jnp.maximum((q_sq + k_sq) + qk2, 0.0)
            td2, tidx = tile_topk(d2, iotaf, jnp.float32(j * bk))
            return merge(d2s, idxs, td2, tidx)

        def step(i, carry):
            j = i * 2
            carry = process(j, 0, carry)
            return process(j + 1, 1, carry)

        d2s0 = jnp.full((q.shape[0], topk), jnp.inf, jnp.float32)
        idxs0 = jnp.full((q.shape[0], topk), big_f, jnp.float32)
        d2s, idxs = lax.fori_loop(0, kb_total // 2, step, (d2s0, idxs0))

        dist_ref[...] = jnp.sqrt(d2s)
        idx_ref[...] = idxs.astype(jnp.int32)

    return body


def _topk_call(queries, keys):
    q, d = queries.shape
    return pl.pallas_call(
        _build_topk_body(_NKEYS, _BK, _KB, _TOPK),
        in_specs=[
            pl.BlockSpec(memory_space=pltpu.VMEM),
            pl.BlockSpec(memory_space=pl.ANY),
        ],
        out_specs=[
            pl.BlockSpec(memory_space=pltpu.VMEM),
            pl.BlockSpec(memory_space=pltpu.VMEM),
        ],
        out_shape=[
            jax.ShapeDtypeStruct((q, _TOPK), jnp.float32),
            jax.ShapeDtypeStruct((q, _TOPK), jnp.int32),
        ],
        scratch_shapes=[
            pltpu.VMEM((2, _BK, d), jnp.float32),
            pltpu.SemaphoreType.DMA((2,)),
        ],
    )(queries, keys)


def _sc_gather(keys, flat_idx):
    b, d = flat_idx.shape[0], keys.shape[1]
    info = plsc.get_sparse_core_info()
    nw = info.num_cores * info.num_subcores
    bpw = b // nw
    mesh = plsc.VectorSubcoreMesh(core_axis_name="c", subcore_axis_name="s")

    @functools.partial(
        pl.kernel,
        mesh=mesh,
        out_type=jax.ShapeDtypeStruct((b, d), jnp.float32),
        scratch_types=[
            pltpu.VMEM((bpw,), jnp.int32),
            pltpu.VMEM((bpw, d), jnp.float32),
            pltpu.SemaphoreType.DMA,
        ],
    )
    def gather_kernel(keys_hbm, idx_hbm, out_hbm, idx_v, rows_v, sem):
        wid = lax.axis_index("s") * info.num_cores + lax.axis_index("c")
        base = wid * bpw
        pltpu.sync_copy(idx_hbm.at[pl.ds(base, bpw)], idx_v)
        pltpu.async_copy(keys_hbm.at[idx_v], rows_v, sem).wait()
        pltpu.sync_copy(rows_v, out_hbm.at[pl.ds(base, bpw)])

    return gather_kernel(keys, flat_idx)


def kernel(queries, keys, k):
    del k
    topk_dist, topk_idx = _topk_call(queries, keys)
    gathered = _sc_gather(keys, topk_idx.reshape(-1))
    return gathered.reshape(_Q, _TOPK, _D), topk_dist, topk_idx

# --- scband reference (transcript-rebuilt; emitter-appended) ---
"""Pipeline reference for scband-few-shot-model-5918464934007 (READ-ONLY COPY).

The authoritative reference and input builder live on the scoring server;
editing this copy changes nothing except your own understanding.
"""

import jax, jax.numpy as jnp
import numpy as np


def setup_inputs(seed: int = 0) -> dict:
    key = jax.random.key(seed)
    k1, k2 = jax.random.split(key)
    queries = jax.random.normal(k1, (1024, 128), dtype=jnp.float32)
    keys = jax.random.normal(k2, (100000, 128), dtype=jnp.float32)
    return {"queries": queries, "keys": keys, "k": 3}


def reference(queries, keys, k):
    # Faithful kNN retrieval core of FewShotModel.get_contexts_feature:
    #   distances = torch.norm(texts_fea - que_tot, dim=...)  (L2 distance per candidate)
    #   closest_indices = torch.argsort(distances)[:k]
    #   ctx = texts_fea[closest_indices]  (gather the k closest context features)
    # Batched over 1024 query feature vectors against 100000 candidate context features.
    q_sq = jnp.sum(queries * queries, axis=1, keepdims=True)          # [Q, 1]
    k_sq = jnp.sum(keys * keys, axis=1)[None, :]                      # [1, K]
    d2 = q_sq + k_sq - 2.0 * (queries @ keys.T)                       # [Q, K]
    d2 = jnp.maximum(d2, 0.0)
    dist = jnp.sqrt(d2)                                               # L2 norm, like torch.norm
    dist = dist + 0.0 * k
    neg_topd, topk_idx = jax.lax.top_k(-dist, 3)                      # k smallest distances
    topk_dist = -neg_topd                                             # [Q, k]
    gathered = jnp.take(keys, topk_idx, axis=0)                       # [Q, k, d] retrieved context features
    return gathered, topk_dist, topk_idx

if __name__ == "__main__":
    import jax
    _d = setup_inputs()
    print(jax.jit(kernel)(*tuple(_d.values())))

</pallas_src>

<mosaic_0001>
#map = affine_map<(d0, d1) -> (0, 0)>
#map1 = affine_map<(d0, d1) -> (0)>
module attributes {stable_mosaic.version = 14 : i64} {
  func.func @gather_kernel(%arg0: i32, %arg1: i32, %arg2: memref<100000x128xf32, #tpu.memory_space<hbm>>, %arg3: memref<3072xi32, #tpu.memory_space<hbm>>, %arg4: memref<3072x128xf32, #tpu.memory_space<hbm>>, %arg5: memref<96xi32, #tpu.memory_space<vmem>>, %arg6: memref<96x128xf32, #tpu.memory_space<vmem>>, %arg7: memref<!tpu.dma_semaphore, #tpu.memory_space<semaphore_mem>>) attributes {dimension_semantics = [#tpu.dimension_semantics<core_parallel>, #tpu.dimension_semantics<subcore_parallel>], iteration_bounds = array<i64: 2, 16>, scalar_prefetch = 0 : i64, scratch_operands = 3 : i64, tpu.core_type = #tpu.core_type<sc_vector_subcore>, window_params = [{transform_indices = #map}, {transform_indices = #map1}, {transform_indices = #map}]} {
    %mul3A = arith.constant 2 : i32
    %mul3A_0 = arith.muli %arg1, %mul3A : i32
    %add3A = arith.addi %mul3A_0, %arg0 : i32
    %mul3A_1 = arith.constant 96 : i32
    %mul3A_2 = arith.muli %add3A, %mul3A_1 : i32
    "tpu.region"() ({
      %run_scoped3A = tpu.sem_alloc : memref<!tpu.dma_semaphore, #tpu.memory_space<semaphore_mem>>
      %dma_start3A_7 = tpu.memref_slice %arg3[%mul3A_2] : memref<3072xi32, #tpu.memory_space<hbm>> -> memref<96xi32, #tpu.memory_space<hbm>>
      %dma_start3A_8 = tpu.memref_slice %arg3[%mul3A_2] : memref<3072xi32, #tpu.memory_space<hbm>> -> memref<96xi32, #tpu.memory_space<hbm>>
      tpu.enqueue_dma source(%dma_start3A_8 : memref<96xi32, #tpu.memory_space<hbm>>) target(%arg5 : memref<96xi32, #tpu.memory_space<vmem>>) target_semaphore(%run_scoped3A : memref<!tpu.dma_semaphore, #tpu.memory_space<semaphore_mem>>)
      %dma_wait3A_9 = tpu.memref_slice %arg3[%mul3A_2] : memref<3072xi32, #tpu.memory_space<hbm>> -> memref<96xi32, #tpu.memory_space<hbm>>
      %dma_wait3A_10 = tpu.memref_slice %arg3[%mul3A_2] : memref<3072xi32, #tpu.memory_space<hbm>> -> memref<96xi32, #tpu.memory_space<hbm>>
      tpu.wait_dma2 semaphore(%run_scoped3A : memref<!tpu.dma_semaphore, #tpu.memory_space<semaphore_mem>>) src(%dma_wait3A_10 : memref<96xi32, #tpu.memory_space<hbm>>) dst(%arg5 : memref<96xi32, #tpu.memory_space<vmem>>)
      tpu.yield
    }) : () -> ()
    %dma_start3A = arith.constant 0 : i32
    %dma_start3A_3 = arith.constant 0 : i32
    %dma_start3A_4 = tpu.memref_slice %arg2[%dma_start3A, %dma_start3A_3] : memref<100000x128xf32, #tpu.memory_space<hbm>> -> memref<100000x128xf32, #tpu.memory_space<hbm>>
    tpu.enqueue_indirect_dma source(%dma_start3A_4 : memref<100000x128xf32, #tpu.memory_space<hbm>>) target(%arg6 : memref<96x128xf32, #tpu.memory_space<vmem>>) offsets(%arg5 : memref<96xi32, #tpu.memory_space<vmem>>) semaphore(%arg7 : memref<!tpu.dma_semaphore, #tpu.memory_space<semaphore_mem>>)
    %dma_wait3A = arith.constant 0 : i32
    %dma_wait3A_5 = arith.constant 0 : i32
    %dma_wait3A_6 = tpu.memref_slice %arg2[%dma_wait3A, %dma_wait3A_5] : memref<100000x128xf32, #tpu.memory_space<hbm>> -> memref<100000x128xf32, #tpu.memory_space<hbm>>
    tpu.wait_indirect_dma semaphore(%arg7 : memref<!tpu.dma_semaphore, #tpu.memory_space<semaphore_mem>>) src(%dma_wait3A_6 : memref<100000x128xf32, #tpu.memory_space<hbm>>) dst(%arg6 : memref<96x128xf32, #tpu.memory_space<vmem>>)
    "tpu.region"() ({
      %run_scoped3A = tpu.sem_alloc : memref<!tpu.dma_semaphore, #tpu.memory_space<semaphore_mem>>
      %dma_start3A_7 = arith.constant 0 : i32
      %dma_start3A_8 = tpu.memref_slice %arg4[%mul3A_2, %dma_start3A_7] : memref<3072x128xf32, #tpu.memory_space<hbm>> -> memref<96x128xf32, #tpu.memory_space<hbm>>
      %dma_start3A_9 = arith.constant 0 : i32
      %dma_start3A_10 = tpu.memref_slice %arg4[%mul3A_2, %dma_start3A_9] : memref<3072x128xf32, #tpu.memory_space<hbm>> -> memref<96x128xf32, #tpu.memory_space<hbm>>
      tpu.enqueue_dma source(%arg6 : memref<96x128xf32, #tpu.memory_space<vmem>>) target(%dma_start3A_10 : memref<96x128xf32, #tpu.memory_space<hbm>>) target_semaphore(%run_scoped3A : memref<!tpu.dma_semaphore, #tpu.memory_space<semaphore_mem>>)
      %dma_wait3A_11 = arith.constant 0 : i32
      %dma_wait3A_12 = tpu.memref_slice %arg4[%mul3A_2, %dma_wait3A_11] : memref<3072x128xf32, #tpu.memory_space<hbm>> -> memref<96x128xf32, #tpu.memory_space<hbm>>
      %dma_wait3A_13 = arith.constant 0 : i32
      %dma_wait3A_14 = tpu.memref_slice %arg4[%mul3A_2, %dma_wait3A_13] : memref<3072x128xf32, #tpu.memory_space<hbm>> -> memref<96x128xf32, #tpu.memory_space<hbm>>
      tpu.wait_dma2 semaphore(%run_scoped3A : memref<!tpu.dma_semaphore, #tpu.memory_space<semaphore_mem>>) src(%arg6 : memref<96x128xf32, #tpu.memory_space<vmem>>) dst(%dma_wait3A_14 : memref<96x128xf32, #tpu.memory_space<hbm>>)
      tpu.yield
    }) : () -> ()
    return
  }
}

module attributes {stable_mosaic.version = 14 : i64} {
  func.func @body(%arg0: memref<1024x128xf32, #tpu.memory_space<vmem>>, %arg1: memref<100000x128xf32, #tpu.memory_space<any>>, %arg2: memref<1024x3xf32, #tpu.memory_space<vmem>>, %arg3: memref<1024x3xi32, #tpu.memory_space<vmem>>, %arg4: memref<2x5000x128xf32, #tpu.memory_space<vmem>>, %arg5: memref<2x!tpu.dma_semaphore, #tpu.memory_space<semaphore_mem>>) attributes {dimension_semantics = [], scalar_prefetch = 0 : i64, scratch_operands = 2 : i64, tpu.core_type = #tpu.core_type<tc>} {
    %dma_start3A = arith.constant 0 : i32
    %dma_start3A_0 = arith.constant 0 : i32
    %dma_start3A_1 = tpu.memref_slice %arg5[%dma_start3A_0] : memref<2x!tpu.dma_semaphore, #tpu.memory_space<semaphore_mem>> -> memref<1x!tpu.dma_semaphore, #tpu.memory_space<semaphore_mem>>
    %dma_start3A_2 = tpu.memref_squeeze %dma_start3A_1 : memref<1x!tpu.dma_semaphore, #tpu.memory_space<semaphore_mem>> -> memref<!tpu.dma_semaphore, #tpu.memory_space<semaphore_mem>>
    %dma_start3A_3 = arith.constant 0 : i32
    %dma_start3A_4 = arith.constant 0 : i32
    %dma_start3A_5 = tpu.memref_slice %arg4[%dma_start3A, %dma_start3A_3, %dma_start3A_4] : memref<2x5000x128xf32, #tpu.memory_space<vmem>> -> memref<1x5000x128xf32, #tpu.memory_space<vmem>>
    %dma_start3A_6 = tpu.memref_squeeze %dma_start3A_5 : memref<1x5000x128xf32, #tpu.memory_space<vmem>> -> memref<5000x128xf32, #tpu.memory_space<vmem>>
    %dma_start3A_7 = arith.constant 0 : i32
    %dma_start3A_8 = arith.constant 0 : i32
    %dma_start3A_9 = tpu.memref_slice %arg1[%dma_start3A_7, %dma_start3A_8] : memref<100000x128xf32, #tpu.memory_space<any>> -> memref<5000x128xf32, #tpu.memory_space<any>>
    tpu.enqueue_dma source(%dma_start3A_9 : memref<5000x128xf32, #tpu.memory_space<any>>) target(%dma_start3A_6 : memref<5000x128xf32, #tpu.memory_space<vmem>>) target_semaphore(%dma_start3A_2 : memref<!tpu.dma_semaphore, #tpu.memory_space<semaphore_mem>>)
    %get3A = arith.constant 0 : index
    %get3A_10 = arith.constant 0 : index
    %get3A_11 = vector.load %arg0[%get3A, %get3A_10] : memref<1024x128xf32, #tpu.memory_space<vmem>>, vector<1024x128xf32>
    %mul3A = arith.constant -2.000000e+00 : f32
    %mul3A_12 = vector.broadcast %mul3A : f32 to vector<1024x128xf32>
    %mul3A_13 = arith.mulf %get3A_11, %mul3A_12 : vector<1024x128xf32>
    %mul3A_14 = arith.mulf %get3A_11, %get3A_11 : vector<1024x128xf32>
    %reduce_sum3A = arith.constant dense<0.000000e+00> : vector<1024xf32>
    %reduce_sum3A_15 = vector.multi_reduction <add>, %mul3A_14, %reduce_sum3A [1] : vector<1024x128xf32> to vector<1024xf32>
    %broadcast_in_dim3A = vector.shape_cast %reduce_sum3A_15 : vector<1024xf32> to vector<1024x1xf32>
    %iota3A = tpu.iota {dimensions = array<i32: 1>} : vector<1024x5000xi32>
    %convert_element_type3A = arith.sitofp %iota3A : vector<1024x5000xi32> to vector<1024x5000xf32>
    %broadcast_in_dim3A_16 = arith.constant 0x7F800000 : f32
    %broadcast_in_dim3A_17 = vector.broadcast %broadcast_in_dim3A_16 : f32 to vector<1024x3xf32>
    %broadcast_in_dim3A_18 = arith.constant 1.07374182E+9 : f32
    %broadcast_in_dim3A_19 = vector.broadcast %broadcast_in_dim3A_18 : f32 to vector<1024x3xf32>
    %scan3A = arith.constant 0 : i32
    %scan3A_20 = arith.constant 10 : i32
    %scan3A_21 = arith.addi %scan3A, %scan3A_20 : i32
    %scan3A_22 = arith.constant 1 : i32
    %scan3A_23:2 = scf.for %scan3A_31 = %scan3A to %scan3A_21 step %scan3A_22 iter_args(%scan3A_32 = %broadcast_in_dim3A_17, %scan3A_33 = %broadcast_in_dim3A_19) -> (vector<1024x3xf32>, vector<1024x3xf32>)  : i32 {
      %mul3A_34 = arith.constant 2 : i32
      %mul3A_35 = arith.muli %scan3A_31, %mul3A_34 : i32
      %add3A = arith.constant 1 : i32
      %add3A_36 = arith.addi %mul3A_35, %add3A : i32
      %lt3A = arith.constant 20 : i32
      %lt3A_37 = arith.cmpi slt, %add3A_36, %lt3A : i32
      %convert_element_type3A_38 = arith.extui %lt3A_37 : i1 to i32
      %cond3A = arith.constant 0 : i32
      %cond3A_39 = arith.cmpi ne, %convert_element_type3A_38, %cond3A : i32
      scf.if %cond3A_39 {
        %add3A_295 = arith.constant 1 : i32
        %add3A_296 = arith.addi %mul3A_35, %add3A_295 : i32
        %mul3A_297 = arith.constant 5000 : i32
        %mul3A_298 = arith.muli %add3A_296, %mul3A_297 : i32
        %dma_start3A_299 = arith.constant 1 : i32
        %dma_start3A_300 = arith.constant 1 : i32
        %dma_start3A_301 = tpu.memref_slice %arg5[%dma_start3A_300] : memref<2x!tpu.dma_semaphore, #tpu.memory_space<semaphore_mem>> -> memref<1x!tpu.dma_semaphore, #tpu.memory_space<semaphore_mem>>
        %dma_start3A_302 = tpu.memref_squeeze %dma_start3A_301 : memref<1x!tpu.dma_semaphore, #tpu.memory_space<semaphore_mem>> -> memref<!tpu.dma_semaphore, #tpu.memory_space<semaphore_mem>>
        %dma_start3A_303 = arith.constant 0 : i32
        %dma_start3A_304 = arith.constant 0 : i32
        %dma_start3A_305 = tpu.memref_slice %arg4[%dma_start3A_299, %dma_start3A_303, %dma_start3A_304] : memref<2x5000x128xf32, #tpu.memory_space<vmem>> -> memref<1x5000x128xf32, #tpu.memory_space<vmem>>
        %dma_start3A_306 = tpu.memref_squeeze %dma_start3A_305 : memref<1x5000x128xf32, #tpu.memory_space<vmem>> -> memref<5000x128xf32, #tpu.memory_space<vmem>>
        %dma_start3A_307 = arith.constant 0 : i32
        %dma_start3A_308 = tpu.memref_slice %arg1[%mul3A_298, %dma_start3A_307] : memref<100000x128xf32, #tpu.memory_space<any>> -> memref<5000x128xf32, #tpu.memory_space<any>>
        tpu.enqueue_dma source(%dma_start3A_308 : memref<5000x128xf32, #tpu.memory_space<any>>) target(%dma_start3A_306 : memref<5000x128xf32, #tpu.memory_space<vmem>>) target_semaphore(%dma_start3A_302 : memref<!tpu.dma_semaphore, #tpu.memory_space<semaphore_mem>>)
      } else {
      }
      %mul3A_40 = arith.constant 5000 : i32
      %mul3A_41 = arith.muli %mul3A_35, %mul3A_40 : i32
      %dma_wait3A = arith.constant 0 : i32
      %dma_wait3A_42 = arith.constant 0 : i32
      %dma_wait3A_43 = tpu.memref_slice %arg5[%dma_wait3A_42] : memref<2x!tpu.dma_semaphore, #tpu.memory_space<semaphore_mem>> -> memref<1x!tpu.dma_semaphore, #tpu.memory_space<semaphore_mem>>
      %dma_wait3A_44 = tpu.memref_squeeze %dma_wait3A_43 : memref<1x!tpu.dma_semaphore, #tpu.memory_space<semaphore_mem>> -> memref<!tpu.dma_semaphore, #tpu.memory_space<semaphore_mem>>
      %dma_wait3A_45 = arith.constant 0 : i32
      %dma_wait3A_46 = arith.constant 0 : i32
      %dma_wait3A_47 = tpu.memref_slice %arg4[%dma_wait3A, %dma_wait3A_45, %dma_wait3A_46] : memref<2x5000x128xf32, #tpu.memory_space<vmem>> -> memref<1x5000x128xf32, #tpu.memory_space<vmem>>
      %dma_wait3A_48 = tpu.memref_squeeze %dma_wait3A_47 : memref<1x5000x128xf32, #tpu.memory_space<vmem>> -> memref<5000x128xf32, #tpu.memory_space<vmem>>
      %dma_wait3A_49 = arith.constant 0 : i32
      %dma_wait3A_50 = tpu.memref_slice %arg1[%mul3A_41, %dma_wait3A_49] : memref<100000x128xf32, #tpu.memory_space<any>> -> memref<5000x128xf32, #tpu.memory_space<any>>
      tpu.wait_dma2 semaphore(%dma_wait3A_44 : memref<!tpu.dma_semaphore, #tpu.memory_space<semaphore_mem>>) src(%dma_wait3A_50 : memref<5000x128xf32, #tpu.memory_space<any>>) dst(%dma_wait3A_48 : memref<5000x128xf32, #tpu.memory_space<vmem>>)
      %get3A_51 = arith.constant 0 : index
      %get3A_52 = arith.constant 0 : index
      %get3A_53 = arith.constant 0 : index
      %get3A_54 = vector.load %arg4[%get3A_51, %get3A_52, %get3A_53] : memref<2x5000x128xf32, #tpu.memory_space<vmem>>, vector<1x5000x128xf32>
      %get3A_55 = vector.shape_cast %get3A_54 : vector<1x5000x128xf32> to vector<5000x128xf32>
      %dot_general3A = arith.constant dense<0.000000e+00> : vector<1024x5000xf32>
      %dot_general3A_56 = tpu.matmul %mul3A_13, %get3A_55, %dot_general3A {dimension_numbers = #tpu.dot_dimension_numbers<[1], [1], [0], [0], [0, 0, 1, 0], [], []>, transpose_lhs_hint = false} : vector<1024x128xf32>, vector<5000x128xf32>, vector<1024x5000xf32> -> vector<1024x5000xf32>
      %mul3A_57 = arith.mulf %get3A_55, %get3A_55 : vector<5000x128xf32>
      %reduce_sum3A_58 = arith.constant dense<0.000000e+00> : vector<5000xf32>
      %reduce_sum3A_59 = vector.multi_reduction <add>, %mul3A_57, %reduce_sum3A_58 [1] : vector<5000x128xf32> to vector<5000xf32>
      %broadcast_in_dim3A_60 = vector.shape_cast %reduce_sum3A_59 : vector<5000xf32> to vector<1x5000xf32>
      %add3A_61 = vector.broadcast %broadcast_in_dim3A : vector<1024x1xf32> to vector<1024x5000xf32>
      %add3A_62 = vector.broadcast %broadcast_in_dim3A_60 : vector<1x5000xf32> to vector<1024x5000xf32>
      %add3A_63 = arith.addf %add3A_61, %add3A_62 : vector<1024x5000xf32>
      %add3A_64 = arith.addf %add3A_63, %dot_general3A_56 : vector<1024x5000xf32>
      %max3A = arith.constant 0.000000e+00 : f32
      %max3A_65 = vector.broadcast %max3A : f32 to vector<1024x5000xf32>
      %max3A_66 = arith.maximumf %add3A_64, %max3A_65 : vector<1024x5000xf32>
      %mul3A_67 = arith.constant 5000 : i32
      %mul3A_68 = arith.muli %mul3A_35, %mul3A_67 : i32
      %convert_element_type3A_69 = arith.sitofp %mul3A_68 : i32 to f32
      %reduce_min3A = arith.constant dense<0x7F800000> : vector<1024xf32>
      %reduce_min3A_70 = vector.multi_reduction <minimumf>, %max3A_66, %reduce_min3A [1] : vector<1024x5000xf32> to vector<1024xf32>
      %broadcast_in_dim3A_71 = vector.shape_cast %reduce_min3A_70 : vector<1024xf32> to vector<1024x1xf32>
      %eq3A = vector.broadcast %broadcast_in_dim3A_71 : vector<1024x1xf32> to vector<1024x5000xf32>
      %eq3A_72 = arith.cmpf oeq, %max3A_66, %eq3A : vector<1024x5000xf32>
      %jit3A = arith.constant 1.07374182E+9 : f32
      %broadcast_in_dim3A_73 = vector.broadcast %jit3A : f32 to vector<1024x5000xf32>
      %select_n3A = arith.select %eq3A_72, %convert_element_type3A, %broadcast_in_dim3A_73 : vector<1024x5000xi1>, vector<1024x5000xf32>
      %reduce_min3A_74 = arith.constant dense<0x7F800000> : vector<1024xf32>
      %reduce_min3A_75 = vector.multi_reduction <minimumf>, %select_n3A, %reduce_min3A_74 [1] : vector<1024x5000xf32> to vector<1024xf32>
      %broadcast_in_dim3A_76 = vector.shape_cast %reduce_min3A_75 : vector<1024xf32> to vector<1024x1xf32>
      %eq3A_77 = vector.broadcast %broadcast_in_dim3A_76 : vector<1024x1xf32> to vector<1024x5000xf32>
      %eq3A_78 = arith.cmpf oeq, %convert_element_type3A, %eq3A_77 : vector<1024x5000xf32>
      %jit3A_79 = arith.constant 0x7F800000 : f32
      %broadcast_in_dim3A_80 = vector.broadcast %jit3A_79 : f32 to vector<1024x5000xf32>
      %select_n3A_81 = arith.select %eq3A_78, %broadcast_in_dim3A_80, %max3A_66 : vector<1024x5000xi1>, vector<1024x5000xf32>
      %reduce_min3A_82 = arith.constant dense<0x7F800000> : vector<1024xf32>
      %reduce_min3A_83 = vector.multi_reduction <minimumf>, %select_n3A_81, %reduce_min3A_82 [1] : vector<1024x5000xf32> to vector<1024xf32>
      %broadcast_in_dim3A_84 = vector.shape_cast %reduce_min3A_83 : vector<1024xf32> to vector<1024x1xf32>
      %eq3A_85 = vector.broadcast %broadcast_in_dim3A_84 : vector<1024x1xf32> to vector<1024x5000xf32>
      %eq3A_86 = arith.cmpf oeq, %select_n3A_81, %eq3A_85 : vector<1024x5000xf32>
      %jit3A_87 = arith.constant 1.07374182E+9 : f32
      %broadcast_in_dim3A_88 = vector.broadcast %jit3A_87 : f32 to vector<1024x5000xf32>
      %select_n3A_89 = arith.select %eq3A_86, %convert_element_type3A, %broadcast_in_dim3A_88 : vector<1024x5000xi1>, vector<1024x5000xf32>
      %reduce_min3A_90 = arith.constant dense<0x7F800000> : vector<1024xf32>
      %reduce_min3A_91 = vector.multi_reduction <minimumf>, %select_n3A_89, %reduce_min3A_90 [1] : vector<1024x5000xf32> to vector<1024xf32>
      %broadcast_in_dim3A_92 = vector.shape_cast %reduce_min3A_91 : vector<1024xf32> to vector<1024x1xf32>
      %eq3A_93 = vector.broadcast %broadcast_in_dim3A_92 : vector<1024x1xf32> to vector<1024x5000xf32>
      %eq3A_94 = arith.cmpf oeq, %convert_element_type3A, %eq3A_93 : vector<1024x5000xf32>
      %jit3A_95 = arith.constant 0x7F800000 : f32
      %broadcast_in_dim3A_96 = vector.broadcast %jit3A_95 : f32 to vector<1024x5000xf32>
      %select_n3A_97 = arith.select %eq3A_94, %broadcast_in_dim3A_96, %select_n3A_81 : vector<1024x5000xi1>, vector<1024x5000xf32>
      %reduce_min3A_98 = arith.constant dense<0x7F800000> : vector<1024xf32>
      %reduce_min3A_99 = vector.multi_reduction <minimumf>, %select_n3A_97, %reduce_min3A_98 [1] : vector<1024x5000xf32> to vector<1024xf32>
      %broadcast_in_dim3A_100 = vector.shape_cast %reduce_min3A_99 : vector<1024xf32> to vector<1024x1xf32>
      %eq3A_101 = vector.broadcast %broadcast_in_dim3A_100 : vector<1024x1xf32> to vector<1024x5000xf32>
      %eq3A_102 = arith.cmpf oeq, %select_n3A_97, %eq3A_101 : vector<1024x5000xf32>
      %jit3A_103 = arith.constant 1.07374182E+9 : f32
      %broadcast_in_dim3A_104 = vector.broadcast %jit3A_103 : f32 to vector<1024x5000xf32>
      %select_n3A_105 = arith.select %eq3A_102, %convert_element_type3A, %broadcast_in_dim3A_104 : vector<1024x5000xi1>, vector<1024x5000xf32>
      %reduce_min3A_106 = arith.constant dense<0x7F800000> : vector<1024xf32>
      %reduce_min3A_107 = vector.multi_reduction <minimumf>, %select_n3A_105, %reduce_min3A_106 [1] : vector<1024x5000xf32> to vector<1024xf32>
      %broadcast_in_dim3A_108 = vector.shape_cast %reduce_min3A_107 : vector<1024xf32> to vector<1024x1xf32>
      %concatenate3A = tpu.concatenate %broadcast_in_dim3A_71, %broadcast_in_dim3A_84, %broadcast_in_dim3A_100 in 1 : vector<1024x1xf32>, vector<1024x1xf32>, vector<1024x1xf32> -> vector<1024x3xf32>
      %concatenate3A_109 = tpu.concatenate %broadcast_in_dim3A_76, %broadcast_in_dim3A_92, %broadcast_in_dim3A_108 in 1 : vector<1024x1xf32>, vector<1024x1xf32>, vector<1024x1xf32> -> vector<1024x3xf32>
      %add3A_110 = vector.broadcast %convert_element_type3A_69 : f32 to vector<1024x3xf32>
      %add3A_111 = arith.addf %add3A_110, %concatenate3A_109 : vector<1024x3xf32>
      %concatenate3A_112 = tpu.concatenate %scan3A_32, %concatenate3A in 1 : vector<1024x3xf32>, vector<1024x3xf32> -> vector<1024x6xf32>
      %concatenate3A_113 = tpu.concatenate %scan3A_33, %add3A_111 in 1 : vector<1024x3xf32>, vector<1024x3xf32> -> vector<1024x6xf32>
      %reduce_min3A_114 = arith.constant dense<0x7F800000> : vector<1024xf32>
      %reduce_min3A_115 = vector.multi_reduction <minimumf>, %concatenate3A_112, %reduce_min3A_114 [1] : vector<1024x6xf32> to vector<1024xf32>
      %broadcast_in_dim3A_116 = vector.shape_cast %reduce_min3A_115 : vector<1024xf32> to vector<1024x1xf32>
      %eq3A_117 = vector.broadcast %broadcast_in_dim3A_116 : vector<1024x1xf32> to vector<1024x6xf32>
      %eq3A_118 = arith.cmpf oeq, %concatenate3A_112, %eq3A_117 : vector<1024x6xf32>
      %jit3A_119 = arith.constant 1.07374182E+9 : f32
      %broadcast_in_dim3A_120 = vector.broadcast %jit3A_119 : f32 to vector<1024x6xf32>
      %select_n3A_121 = arith.select %eq3A_118, %concatenate3A_113, %broadcast_in_dim3A_120 : vector<1024x6xi1>, vector<1024x6xf32>
      %reduce_min3A_122 = arith.constant dense<0x7F800000> : vector<1024xf32>
      %reduce_min3A_123 = vector.multi_reduction <minimumf>, %select_n3A_121, %reduce_min3A_122 [1] : vector<1024x6xf32> to vector<1024xf32>
      %broadcast_in_dim3A_124 = vector.shape_cast %reduce_min3A_123 : vector<1024xf32> to vector<1024x1xf32>
      %eq3A_125 = vector.broadcast %broadcast_in_dim3A_124 : vector<1024x1xf32> to vector<1024x6xf32>
      %eq3A_126 = arith.cmpf oeq, %concatenate3A_113, %eq3A_125 : vector<1024x6xf32>
      %jit3A_127 = arith.constant 0x7F800000 : f32
      %broadcast_in_dim3A_128 = vector.broadcast %jit3A_127 : f32 to vector<1024x6xf32>
      %select_n3A_129 = arith.select %eq3A_126, %broadcast_in_dim3A_128, %concatenate3A_112 : vector<1024x6xi1>, vector<1024x6xf32>
      %reduce_min3A_130 = arith.constant dense<0x7F800000> : vector<1024xf32>
      %reduce_min3A_131 = vector.multi_reduction <minimumf>, %select_n3A_129, %reduce_min3A_130 [1] : vector<1024x6xf32> to vector<1024xf32>
      %broadcast_in_dim3A_132 = vector.shape_cast %reduce_min3A_131 : vector<1024xf32> to vector<1024x1xf32>
      %eq3A_133 = vector.broadcast %broadcast_in_dim3A_132 : vector<1024x1xf32> to vector<1024x6xf32>
      %eq3A_134 = arith.cmpf oeq, %select_n3A_129, %eq3A_133 : vector<1024x6xf32>
      %jit3A_135 = arith.constant 1.07374182E+9 : f32
      %broadcast_in_dim3A_136 = vector.broadcast %jit3A_135 : f32 to vector<1024x6xf32>
      %select_n3A_137 = arith.select %eq3A_134, %concatenate3A_113, %broadcast_in_dim3A_136 : vector<1024x6xi1>, vector<1024x6xf32>
      %reduce_min3A_138 = arith.constant dense<0x7F800000> : vector<1024xf32>
      %reduce_min3A_139 = vector.multi_reduction <minimumf>, %select_n3A_137, %reduce_min3A_138 [1] : vector<1024x6xf32> to vector<1024xf32>
      %broadcast_in_dim3A_140 = vector.shape_cast %reduce_min3A_139 : vector<1024xf32> to vector<1024x1xf32>
      %eq3A_141 = vector.broadcast %broadcast_in_dim3A_140 : vector<1024x1xf32> to vector<1024x6xf32>
      %eq3A_142 = arith.cmpf oeq, %concatenate3A_113, %eq3A_141 : vector<1024x6xf32>
      %jit3A_143 = arith.constant 0x7F800000 : f32
      %broadcast_in_dim3A_144 = vector.broadcast %jit3A_143 : f32 to vector<1024x6xf32>
      %select_n3A_145 = arith.select %eq3A_142, %broadcast_in_dim3A_144, %select_n3A_129 : vector<1024x6xi1>, vector<1024x6xf32>
      %reduce_min3A_146 = arith.constant dense<0x7F800000> : vector<1024xf32>
      %reduce_min3A_147 = vector.multi_reduction <minimumf>, %select_n3A_145, %reduce_min3A_146 [1] : vector<1024x6xf32> to vector<1024xf32>
      %broadcast_in_dim3A_148 = vector.shape_cast %reduce_min3A_147 : vector<1024xf32> to vector<1024x1xf32>
      %eq3A_149 = vector.broadcast %broadcast_in_dim3A_148 : vector<1024x1xf32> to vector<1024x6xf32>
      %eq3A_150 = arith.cmpf oeq, %select_n3A_145, %eq3A_149 : vector<1024x6xf32>
      %jit3A_151 = arith.constant 1.07374182E+9 : f32
      %broadcast_in_dim3A_152 = vector.broadcast %jit3A_151 : f32 to vector<1024x6xf32>
      %select_n3A_153 = arith.select %eq3A_150, %concatenate3A_113, %broadcast_in_dim3A_152 : vector<1024x6xi1>, vector<1024x6xf32>
      %reduce_min3A_154 = arith.constant dense<0x7F800000> : vector<1024xf32>
      %reduce_min3A_155 = vector.multi_reduction <minimumf>, %select_n3A_153, %reduce_min3A_154 [1] : vector<1024x6xf32> to vector<1024xf32>
      %broadcast_in_dim3A_156 = vector.shape_cast %reduce_min3A_155 : vector<1024xf32> to vector<1024x1xf32>
      %concatenate3A_157 = tpu.concatenate %broadcast_in_dim3A_116, %broadcast_in_dim3A_132, %broadcast_in_dim3A_148 in 1 : vector<1024x1xf32>, vector<1024x1xf32>, vector<1024x1xf32> -> vector<1024x3xf32>
      %concatenate3A_158 = tpu.concatenate %broadcast_in_dim3A_124, %broadcast_in_dim3A_140, %broadcast_in_dim3A_156 in 1 : vector<1024x1xf32>, vector<1024x1xf32>, vector<1024x1xf32> -> vector<1024x3xf32>
      %add3A_159 = arith.constant 1 : i32
      %add3A_160 = arith.addi %mul3A_35, %add3A_159 : i32
      %add3A_161 = arith.constant 1 : i32
      %add3A_162 = arith.addi %add3A_160, %add3A_161 : i32
      %lt3A_163 = arith.constant 20 : i32
      %lt3A_164 = arith.cmpi slt, %add3A_162, %lt3A_163 : i32
      %convert_element_type3A_165 = arith.extui %lt3A_164 : i1 to i32
      %cond3A_166 = arith.constant 0 : i32
      %cond3A_167 = arith.cmpi ne, %convert_element_type3A_165, %cond3A_166 : i32
      scf.if %cond3A_167 {
        %add3A_295 = arith.constant 1 : i32
        %add3A_296 = arith.addi %add3A_160, %add3A_295 : i32
        %mul3A_297 = arith.constant 5000 : i32
        %mul3A_298 = arith.muli %add3A_296, %mul3A_297 : i32
        %dma_start3A_299 = arith.constant 0 : i32
        %dma_start3A_300 = arith.constant 0 : i32
        %dma_start3A_301 = tpu.memref_slice %arg5[%dma_start3A_300] : memref<2x!tpu.dma_semaphore, #tpu.memory_space<semaphore_mem>> -> memref<1x!tpu.dma_semaphore, #tpu.memory_space<semaphore_mem>>
        %dma_start3A_302 = tpu.memref_squeeze %dma_start3A_301 : memref<1x!tpu.dma_semaphore, #tpu.memory_space<semaphore_mem>> -> memref<!tpu.dma_semaphore, #tpu.memory_space<semaphore_mem>>
        %dma_start3A_303 = arith.constant 0 : i32
        %dma_start3A_304 = arith.constant 0 : i32
        %dma_start3A_305 = tpu.memref_slice %arg4[%dma_start3A_299, %dma_start3A_303, %dma_start3A_304] : memref<2x5000x128xf32, #tpu.memory_space<vmem>> -> memref<1x5000x128xf32, #tpu.memory_space<vmem>>
        %dma_start3A_306 = tpu.memref_squeeze %dma_start3A_305 : memref<1x5000x128xf32, #tpu.memory_space<vmem>> -> memref<5000x128xf32, #tpu.memory_space<vmem>>
        %dma_start3A_307 = arith.constant 0 : i32
        %dma_start3A_308 = tpu.memref_slice %arg1[%mul3A_298, %dma_start3A_307] : memref<100000x128xf32, #tpu.memory_space<any>> -> memref<5000x128xf32, #tpu.memory_space<any>>
        tpu.enqueue_dma source(%dma_start3A_308 : memref<5000x128xf32, #tpu.memory_space<any>>) target(%dma_start3A_306 : memref<5000x128xf32, #tpu.memory_space<vmem>>) target_semaphore(%dma_start3A_302 : memref<!tpu.dma_semaphore, #tpu.memory_space<semaphore_mem>>)
      } else {
      }
      %mul3A_168 = arith.constant 5000 : i32
      %mul3A_169 = arith.muli %add3A_160, %mul3A_168 : i32
      %dma_wait3A_170 = arith.constant 1 : i32
      %dma_wait3A_171 = arith.constant 1 : i32
      %dma_wait3A_172 = tpu.memref_slice %arg5[%dma_wait3A_171] : memref<2x!tpu.dma_semaphore, #tpu.memory_space<semaphore_mem>> -> memref<1x!tpu.dma_semaphore, #tpu.memory_space<semaphore_mem>>
      %dma_wait3A_173 = tpu.memref_squeeze %dma_wait3A_172 : memref<1x!tpu.dma_semaphore, #tpu.memory_space<semaphore_mem>> -> memref<!tpu.dma_semaphore, #tpu.memory_space<semaphore_mem>>
      %dma_wait3A_174 = arith.constant 0 : i32
      %dma_wait3A_175 = arith.constant 0 : i32
      %dma_wait3A_176 = tpu.memref_slice %arg4[%dma_wait3A_170, %dma_wait3A_174, %dma_wait3A_175] : memref<2x5000x128xf32, #tpu.memory_space<vmem>> -> memref<1x5000x128xf32, #tpu.memory_space<vmem>>
      %dma_wait3A_177 = tpu.memref_squeeze %dma_wait3A_176 : memref<1x5000x128xf32, #tpu.memory_space<vmem>> -> memref<5000x128xf32, #tpu.memory_space<vmem>>
      %dma_wait3A_178 = arith.constant 0 : i32
      %dma_wait3A_179 = tpu.memref_slice %arg1[%mul3A_169, %dma_wait3A_178] : memref<100000x128xf32, #tpu.memory_space<any>> -> memref<5000x128xf32, #tpu.memory_space<any>>
      tpu.wait_dma2 semaphore(%dma_wait3A_173 : memref<!tpu.dma_semaphore, #tpu.memory_space<semaphore_mem>>) src(%dma_wait3A_179 : memref<5000x128xf32, #tpu.memory_space<any>>) dst(%dma_wait3A_177 : memref<5000x128xf32, #tpu.memory_space<vmem>>)
      %get3A_180 = arith.constant 1 : index
      %get3A_181 = arith.constant 0 : index
      %get3A_182 = arith.constant 0 : index
      %get3A_183 = vector.load %arg4[%get3A_180, %get3A_181, %get3A_182] : memref<2x5000x128xf32, #tpu.memory_space<vmem>>, vector<1x5000x128xf32>
      %get3A_184 = vector.shape_cast %get3A_183 : vector<1x5000x128xf32> to vector<5000x128xf32>
      %dot_general3A_185 = arith.constant dense<0.000000e+00> : vector<1024x5000xf32>
      %dot_general3A_186 = tpu.matmul %mul3A_13, %get3A_184, %dot_general3A_185 {dimension_numbers = #tpu.dot_dimension_numbers<[1], [1], [0], [0], [0, 0, 1, 0], [], []>, transpose_lhs_hint = false} : vector<1024x128xf32>, vector<5000x128xf32>, vector<1024x5000xf32> -> vector<1024x5000xf32>
      %mul3A_187 = arith.mulf %get3A_184, %get3A_184 : vector<5000x128xf32>
      %reduce_sum3A_188 = arith.constant dense<0.000000e+00> : vector<5000xf32>
      %reduce_sum3A_189 = vector.multi_reduction <add>, %mul3A_187, %reduce_sum3A_188 [1] : vector<5000x128xf32> to vector<5000xf32>
      %broadcast_in_dim3A_190 = vector.shape_cast %reduce_sum3A_189 : vector<5000xf32> to vector<1x5000xf32>
      %add3A_191 = vector.broadcast %broadcast_in_dim3A : vector<1024x1xf32> to vector<1024x5000xf32>
      %add3A_192 = vector.broadcast %broadcast_in_dim3A_190 : vector<1x5000xf32> to vector<1024x5000xf32>
      %add3A_193 = arith.addf %add3A_191, %add3A_192 : vector<1024x5000xf32>
      %add3A_194 = arith.addf %add3A_193, %dot_general3A_186 : vector<1024x5000xf32>
      %max3A_195 = arith.constant 0.000000e+00 : f32
      %max3A_196 = vector.broadcast %max3A_195 : f32 to vector<1024x5000xf32>
      %max3A_197 = arith.maximumf %add3A_194, %max3A_196 : vector<1024x5000xf32>
      %mul3A_198 = arith.constant 5000 : i32
      %mul3A_199 = arith.muli %add3A_160, %mul3A_198 : i32
      %convert_element_type3A_200 = arith.sitofp %mul3A_199 : i32 to f32
      %reduce_min3A_201 = arith.constant dense<0x7F800000> : vector<1024xf32>
      %reduce_min3A_202 = vector.multi_reduction <minimumf>, %max3A_197, %reduce_min3A_201 [1] : vector<1024x5000xf32> to vector<1024xf32>
      %broadcast_in_dim3A_203 = vector.shape_cast %reduce_min3A_202 : vector<1024xf32> to vector<1024x1xf32>
      %eq3A_204 = vector.broadcast %broadcast_in_dim3A_203 : vector<1024x1xf32> to vector<1024x5000xf32>
      %eq3A_205 = arith.cmpf oeq, %max3A_197, %eq3A_204 : vector<1024x5000xf32>
      %jit3A_206 = arith.constant 1.07374182E+9 : f32
      %broadcast_in_dim3A_207 = vector.broadcast %jit3A_206 : f32 to vector<1024x5000xf32>
      %select_n3A_208 = arith.select %eq3A_205, %convert_element_type3A, %broadcast_in_dim3A_207 : vector<1024x5000xi1>, vector<1024x5000xf32>
      %reduce_min3A_209 = arith.constant dense<0x7F800000> : vector<1024xf32>
      %reduce_min3A_210 = vector.multi_reduction <minimumf>, %select_n3A_208, %reduce_min3A_209 [1] : vector<1024x5000xf32> to vector<1024xf32>
      %broadcast_in_dim3A_211 = vector.shape_cast %reduce_min3A_210 : vector<1024xf32> to vector<1024x1xf32>
      %eq3A_212 = vector.broadcast %broadcast_in_dim3A_211 : vector<1024x1xf32> to vector<1024x5000xf32>
      %eq3A_213 = arith.cmpf oeq, %convert_element_type3A, %eq3A_212 : vector<1024x5000xf32>
      %jit3A_214 = arith.constant 0x7F800000 : f32
      %broadcast_in_dim3A_215 = vector.broadcast %jit3A_214 : f32 to vector<1024x5000xf32>
      %select_n3A_216 = arith.select %eq3A_213, %broadcast_in_dim3A_215, %max3A_197 : vector<1024x5000xi1>, vector<1024x5000xf32>
      %reduce_min3A_217 = arith.constant dense<0x7F800000> : vector<1024xf32>
      %reduce_min3A_218 = vector.multi_reduction <minimumf>, %select_n3A_216, %reduce_min3A_217 [1] : vector<1024x5000xf32> to vector<1024xf32>
      %broadcast_in_dim3A_219 = vector.shape_cast %reduce_min3A_218 : vector<1024xf32> to vector<1024x1xf32>
      %eq3A_220 = vector.broadcast %broadcast_in_dim3A_219 : vector<1024x1xf32> to vector<1024x5000xf32>
      %eq3A_221 = arith.cmpf oeq, %select_n3A_216, %eq3A_220 : vector<1024x5000xf32>
      %jit3A_222 = arith.constant 1.07374182E+9 : f32
      %broadcast_in_dim3A_223 = vector.broadcast %jit3A_222 : f32 to vector<1024x5000xf32>
      %select_n3A_224 = arith.select %eq3A_221, %convert_element_type3A, %broadcast_in_dim3A_223 : vector<1024x5000xi1>, vector<1024x5000xf32>
      %reduce_min3A_225 = arith.constant dense<0x7F800000> : vector<1024xf32>
      %reduce_min3A_226 = vector.multi_reduction <minimumf>, %select_n3A_224, %reduce_min3A_225 [1] : vector<1024x5000xf32> to vector<1024xf32>
      %broadcast_in_dim3A_227 = vector.shape_cast %reduce_min3A_226 : vector<1024xf32> to vector<1024x1xf32>
      %eq3A_228 = vector.broadcast %broadcast_in_dim3A_227 : vector<1024x1xf32> to vector<1024x5000xf32>
      %eq3A_229 = arith.cmpf oeq, %convert_element_type3A, %eq3A_228 : vector<1024x5000xf32>
      %jit3A_230 = arith.constant 0x7F800000 : f32
      %broadcast_in_dim3A_231 = vector.broadcast %jit3A_230 : f32 to vector<1024x5000xf32>
      %select_n3A_232 = arith.select %eq3A_229, %broadcast_in_dim3A_231, %select_n3A_216 : vector<1024x5000xi1>, vector<1024x5000xf32>
      %reduce_min3A_233 = arith.constant dense<0x7F800000> : vector<1024xf32>
      %reduce_min3A_234 = vector.multi_reduction <minimumf>, %select_n3A_232, %reduce_min3A_233 [1] : vector<1024x5000xf32> to vector<1024xf32>
      %broadcast_in_dim3A_235 = vector.shape_cast %reduce_min3A_234 : vector<1024xf32> to vector<1024x1xf32>
      %eq3A_236 = vector.broadcast %broadcast_in_dim3A_235 : vector<1024x1xf32> to vector<1024x5000xf32>
      %eq3A_237 = arith.cmpf oeq, %select_n3A_232, %eq3A_236 : vector<1024x5000xf32>
      %jit3A_238 = arith.constant 1.07374182E+9 : f32
      %broadcast_in_dim3A_239 = vector.broadcast %jit3A_238 : f32 to vector<1024x5000xf32>
      %select_n3A_240 = arith.select %eq3A_237, %convert_element_type3A, %broadcast_in_dim3A_239 : vector<1024x5000xi1>, vector<1024x5000xf32>
      %reduce_min3A_241 = arith.constant dense<0x7F800000> : vector<1024xf32>
      %reduce_min3A_242 = vector.multi_reduction <minimumf>, %select_n3A_240, %reduce_min3A_241 [1] : vector<1024x5000xf32> to vector<1024xf32>
      %broadcast_in_dim3A_243 = vector.shape_cast %reduce_min3A_242 : vector<1024xf32> to vector<1024x1xf32>
      %concatenate3A_244 = tpu.concatenate %broadcast_in_dim3A_203, %broadcast_in_dim3A_219, %broadcast_in_dim3A_235 in 1 : vector<1024x1xf32>, vector<1024x1xf32>, vector<1024x1xf32> -> vector<1024x3xf32>
      %concatenate3A_245 = tpu.concatenate %broadcast_in_dim3A_211, %broadcast_in_dim3A_227, %broadcast_in_dim3A_243 in 1 : vector<1024x1xf32>, vector<1024x1xf32>, vector<1024x1xf32> -> vector<1024x3xf32>
      %add3A_246 = vector.broadcast %convert_element_type3A_200 : f32 to vector<1024x3xf32>
      %add3A_247 = arith.addf %add3A_246, %concatenate3A_245 : vector<1024x3xf32>
      %concatenate3A_248 = tpu.concatenate %concatenate3A_157, %concatenate3A_244 in 1 : vector<1024x3xf32>, vector<1024x3xf32> -> vector<1024x6xf32>
      %concatenate3A_249 = tpu.concatenate %concatenate3A_158, %add3A_247 in 1 : vector<1024x3xf32>, vector<1024x3xf32> -> vector<1024x6xf32>
      %reduce_min3A_250 = arith.constant dense<0x7F800000> : vector<1024xf32>
      %reduce_min3A_251 = vector.multi_reduction <minimumf>, %concatenate3A_248, %reduce_min3A_250 [1] : vector<1024x6xf32> to vector<1024xf32>
      %broadcast_in_dim3A_252 = vector.shape_cast %reduce_min3A_251 : vector<1024xf32> to vector<1024x1xf32>
      %eq3A_253 = vector.broadcast %broadcast_in_dim3A_252 : vector<1024x1xf32> to vector<1024x6xf32>
      %eq3A_254 = arith.cmpf oeq, %concatenate3A_248, %eq3A_253 : vector<1024x6xf32>
      %jit3A_255 = arith.constant 1.07374182E+9 : f32
      %broadcast_in_dim3A_256 = vector.broadcast %jit3A_255 : f32 to vector<1024x6xf32>
      %select_n3A_257 = arith.select %eq3A_254, %concatenate3A_249, %broadcast_in_dim3A_256 : vector<1024x6xi1>, vector<1024x6xf32>
      %reduce_min3A_258 = arith.constant dense<0x7F800000> : vector<1024xf32>
      %reduce_min3A_259 = vector.multi_reduction <minimumf>, %select_n3A_257, %reduce_min3A_258 [1] : vector<1024x6xf32> to vector<1024xf32>
      %broadcast_in_dim3A_260 = vector.shape_cast %reduce_min3A_259 : vector<1024xf32> to vector<1024x1xf32>
      %eq3A_261 = vector.broadcast %broadcast_in_dim3A_260 : vector<1024x1xf32> to vector<1024x6xf32>
      %eq3A_262 = arith.cmpf oeq, %concatenate3A_249, %eq3A_261 : vector<1024x6xf32>
      %jit3A_263 = arith.constant 0x7F800000 : f32
      %broadcast_in_dim3A_264 = vector.broadcast %jit3A_263 : f32 to vector<1024x6xf32>
      %select_n3A_265 = arith.select %eq3A_262, %broadcast_in_dim3A_264, %concatenate3A_248 : vector<1024x6xi1>, vector<1024x6xf32>
      %reduce_min3A_266 = arith.constant dense<0x7F800000> : vector<1024xf32>
      %reduce_min3A_267 = vector.multi_reduction <minimumf>, %select_n3A_265, %reduce_min3A_266 [1] : vector<1024x6xf32> to vector<1024xf32>
      %broadcast_in_dim3A_268 = vector.shape_cast %reduce_min3A_267 : vector<1024xf32> to vector<1024x1xf32>
      %eq3A_269 = vector.broadcast %broadcast_in_dim3A_268 : vector<1024x1xf32> to vector<1024x6xf32>
      %eq3A_270 = arith.cmpf oeq, %select_n3A_265, %eq3A_269 : vector<1024x6xf32>
      %jit3A_271 = arith.constant 1.07374182E+9 : f32
      %broadcast_in_dim3A_272 = vector.broadcast %jit3A_271 : f32 to vector<1024x6xf32>
      %select_n3A_273 = arith.select %eq3A_270, %concatenate3A_249, %broadcast_in_dim3A_272 : vector<1024x6xi1>, vector<1024x6xf32>
      %reduce_min3A_274 = arith.constant dense<0x7F800000> : vector<1024xf32>
      %reduce_min3A_275 = vector.multi_reduction <minimumf>, %select_n3A_273, %reduce_min3A_274 [1] : vector<1024x6xf32> to vector<1024xf32>
      %broadcast_in_dim3A_276 = vector.shape_cast %reduce_min3A_275 : vector<1024xf32> to vector<1024x1xf32>
      %eq3A_277 = vector.broadcast %broadcast_in_dim3A_276 : vector<1024x1xf32> to vector<1024x6xf32>
      %eq3A_278 = arith.cmpf oeq, %concatenate3A_249, %eq3A_277 : vector<1024x6xf32>
      %jit3A_279 = arith.constant 0x7F800000 : f32
      %broadcast_in_dim3A_280 = vector.broadcast %jit3A_279 : f32 to vector<1024x6xf32>
      %select_n3A_281 = arith.select %eq3A_278, %broadcast_in_dim3A_280, %select_n3A_265 : vector<1024x6xi1>, vector<1024x6xf32>
      %reduce_min3A_282 = arith.constant dense<0x7F800000> : vector<1024xf32>
      %reduce_min3A_283 = vector.multi_reduction <minimumf>, %select_n3A_281, %reduce_min3A_282 [1] : vector<1024x6xf32> to vector<1024xf32>
      %broadcast_in_dim3A_284 = vector.shape_cast %reduce_min3A_283 : vector<1024xf32> to vector<1024x1xf32>
      %eq3A_285 = vector.broadcast %broadcast_in_dim3A_284 : vector<1024x1xf32> to vector<1024x6xf32>
      %eq3A_286 = arith.cmpf oeq, %select_n3A_281, %eq3A_285 : vector<1024x6xf32>
      %jit3A_287 = arith.constant 1.07374182E+9 : f32
      %broadcast_in_dim3A_288 = vector.broadcast %jit3A_287 : f32 to vector<1024x6xf32>
      %select_n3A_289 = arith.select %eq3A_286, %concatenate3A_249, %broadcast_in_dim3A_288 : vector<1024x6xi1>, vector<1024x6xf32>
      %reduce_min3A_290 = arith.constant dense<0x7F800000> : vector<1024xf32>
      %reduce_min3A_291 = vector.multi_reduction <minimumf>, %select_n3A_289, %reduce_min3A_290 [1] : vector<1024x6xf32> to vector<1024xf32>
      %broadcast_in_dim3A_292 = vector.shape_cast %reduce_min3A_291 : vector<1024xf32> to vector<1024x1xf32>
      %concatenate3A_293 = tpu.concatenate %broadcast_in_dim3A_252, %broadcast_in_dim3A_268, %broadcast_in_dim3A_284 in 1 : vector<1024x1xf32>, vector<1024x1xf32>, vector<1024x1xf32> -> vector<1024x3xf32>
      %concatenate3A_294 = tpu.concatenate %broadcast_in_dim3A_260, %broadcast_in_dim3A_276, %broadcast_in_dim3A_292 in 1 : vector<1024x1xf32>, vector<1024x1xf32>, vector<1024x1xf32> -> vector<1024x3xf32>
      scf.yield %concatenate3A_293, %concatenate3A_294 : vector<1024x3xf32>, vector<1024x3xf32>
    }
    %scan3A_24 = arith.constant 10 : i32
    %sqrt3A = math.sqrt %scan3A_23#0 : vector<1024x3xf32>
    %swap3A = arith.constant 0 : index
    %swap3A_25 = arith.constant 0 : index
    %swap3A_26 = vector.load %arg2[%swap3A, %swap3A_25] : memref<1024x3xf32, #tpu.memory_space<vmem>>, vector<1024x3xf32>
    tpu.vector_store %arg2[%swap3A, %swap3A_25], %sqrt3A {strides = array<i32>} : memref<1024x3xf32, #tpu.memory_space<vmem>>, vector<1024x3xf32>,
    %convert_element_type3A_27 = arith.fptosi %scan3A_23#1 : vector<1024x3xf32> to vector<1024x3xi32>
    %swap3A_28 = arith.constant 0 : index
    %swap3A_29 = arith.constant 0 : index
    %swap3A_30 = vector.load %arg3[%swap3A_28, %swap3A_29] : memref<1024x3xi32, #tpu.memory_space<vmem>>, vector<1024x3xi32>
    tpu.vector_store %arg3[%swap3A_28, %swap3A_29], %convert_element_type3A_27 {strides = array<i32>} : memref<1024x3xi32, #tpu.memory_space<vmem>>, vector<1024x3xi32>,
    return
  }
}

</mosaic_0001>

<sc_bundles>
// kernel: kernel.4.cloned.1.call-start
scs
__scs_entry_jumppad:
0x0: {  	(pc) =	sbr.rel $0x88, $3  }
0x1: {  	(tag) =	ssettag $0x0;
	lr =	simm.s32 $0x1  }
0x2: {  	[smem:$0x3F9F] =	sst lr;
	_ =	strace $0xD0000000  }
0x3: {  	_ = 	snop  }
0x4: {  	_ = 	snop  }
0x5: {  	_ = 	snop  }
0x6: {  	_ = 	snop  }
0x7: {  	_ = 	snop  }
__scs_overlays_trampoline_lowered:
0x8: {  	[smem:$0x3FAE] =	sst s0  }
0x9: {  	[smem:$0x3FAF] =	sst s1  }
0xa: {  	[smem:$0x3FB0] =	sst s2  }
0xb: {  	[smem:$0x3FB1] =	sst s3  }
0xc: {  	[smem:$0x3FB2] =	sst s4  }
0xd: {  	[smem:$0x3FB3] =	sst s5  }
0xe: {  	[smem:$0x3FB4] =	sst s6  }
0xf: {  	[smem:$0x3FB5] =	sst s7  }
0x10: {  	[smem:$0x3FB6] =	sst s8  }
0x11: {  	[smem:$0x3FB7] =	sst s9;
	s0 =	simm.s32 @!p0 $0x0  }
0x12: {  	s1 =	sld [smem:$0x3F9D];
	s0 =	simm.s32 @p0 $0x1  }
0x13: {  	[smem:$0x3FB8] =	sst s0;
	s0 =	simm.s32 @!p1 $0x0  }
0x14: {  	s2 =	sld [smem:$0x3F9C];
	s0 =	simm.s32 @p1 $0x1  }
0x15: {  	[smem:$0x3FB9] =	sst s0;
	s0 =	simm.s32 @!p2 $0x0  }
0x16: {  	s3 =	sld [smem:$0x3FDB];
	s0 =	simm.s32 @p2 $0x1  }
0x17: {  	s4 =	simm.s32 $0x1BF5;
	[smem:$0x3FBB] =	sst s0  }
0x18: {  	s0 =	sld [smem:$0x3F9E];
	_ =	swait.ge [sflag:s4], $0x0  }
0x19: {  	s7 =	sld [smem:$0x3F9F]  }
0x1a: {  	s8 =	sadd.s32 $0xFFFFE003, lr  }
0x1b: {  	s9 =	sadd.s32 $0xFFFFFEF7, lr;
	s5 =	simm.s32 $0xFFFFFFFF;
	p2 =	slt.u32 s8, $0xFFFFF086  }
0x1c: {  	p1 =	slt.u32 s9, $0xF7A;
	s5 =	simm.s32 @!p2 $0x0  }
0x1d: {  	s5 =	simm.s32 @p1 $0x1;
	p0 =	seq.s32 s7, s2  }
0x1e: {  	s7 =	smul.u32 @!p0 $0xF7A, s2;
	p2 =	seq.s32 @!p0 s5, $0x0  }
0x1f: {  	s9 =	smul.u32 $0xF7A, s1;
	s8 =	simm.s32 @!p0 $0x1BF5;
	p2 =	por !p2, p0  }
0x20: {  	[sflag:s8] =	ssyncset.s32 @!p0 $0xFFFFF086;
	s6 =	sadd.s32 @!p0 s3, s7;
	s7 =	simm.s32 @!p0 $0x108  }
0x21: {  	s3 =	sadd.s32 s3, s9;
	s6 =	sadd.s32 @!p0 $0x88, s6;
	s7 =	simm.s32 @p2 $0x1082  }
0x22: {  	[simem:s7], [sflag:s8] =	dma.local @!p0 [hbm:s6], $0xF7A  }
0x23: {  	s9 =	sor.u32 $0xD0000000, s2;
	s6 =	simm.s32 $0x108;
	_ =	swait.ge @!p0 [sflag:s8], $0x0  }
0x24: {  	s3 =	sadd.s32 $0x88, s3;
	s6 =	simm.s32 @!p1 $0x1082;
	[sflag:s4] =	ssyncset.s32 $0xFFFFF086  }
0x25: {  	[simem:s6], [sflag:s4] =	dma.local [hbm:s3], $0xF7A  }
0x26: {  	[smem:$0x3F9F] =	sst s1;
	(tag) =	ssettag s2;
	_ =	strace s9  }
0x27: {  	s1 =	sld [smem:$0x3FAF]  }
0x28: {  	s2 =	sld [smem:$0x3FB0]  }
0x29: {  	s4 =	sld [smem:$0x3FB2]  }
0x2a: {  	p0 =	seq.s32 s5, $0x0;
	s5 =	sld [smem:$0x3FB3]  }
0x2b: {  	s6 =	sld [smem:$0x3FB4]  }
0x2c: {  	s7 =	sld [smem:$0x3FB5]  }
0x2d: {  	s3 =	simm.s32 $0x108;
	s8 =	sld [smem:$0x3FB6]  }
0x2e: {  	s3 =	simm.s32 @!p0 $0x1082;
	s9 =	sld [smem:$0x3FB7]  }
0x2f: {  	lr =	sadd.s32 s0, s3;
	s0 =	sld [smem:$0x3FAE]  }
0x30: {  	s3 =	sld [smem:$0x3FB1]  }
0x31: {  	[smem:$0x3FBA] =	sst s10  }
0x32: {  	s10 =	sld [smem:$0x3FB8];
	_ =	sdelay $0x3  }
0x33: {  	p0 =	seq.s32 s10, $0x1;
	s10 =	sld [smem:$0x3FBA];
	_ =	sdelay $0x3  }
0x34: {  	[smem:$0x3FBA] =	sst s10  }
0x35: {  	s10 =	sld [smem:$0x3FB9];
	_ =	sdelay $0x3  }
0x36: {  	p1 =	seq.s32 s10, $0x1;
	s10 =	sld [smem:$0x3FBA];
	_ =	sdelay $0x3  }
0x37: {  	[smem:$0x3FBA] =	sst s10  }
0x38: {  	s10 =	sld [smem:$0x3FBB]  }
0x39: {  	_ = 	snop;
	(pc) =	sbr.ind lr, $3  }
0x3a: {  	_ = 	snop  }
0x3b: {  	_ = 	snop  }
0x3c: {  	p2 =	seq.s32 s10, $0x1;
	s10 =	sld [smem:$0x3FBA]  }
0x3d: {  	_ =	shalt  }
0x3e: {  	_ =	shalt  }
0x3f: {  	_ =	shalt  }
0x40: {  	_ =	shalt  }
0x41: {  	_ =	shalt  }
0x42: {  	_ =	shalt  }
0x43: {  	_ =	shalt  }
0x44: {  	_ =	shalt  }
0x45: {  	_ =	shalt  }
0x46: {  	_ =	shalt  }
0x47: {  	_ =	shalt  }
0x48: {  	_ =	shalt  }
0x49: {  	_ =	shalt  }
0x4a: {  	_ =	shalt  }
0x4b: {  	_ =	shalt  }
0x4c: {  	_ =	shalt  }
0x4d: {  	_ =	shalt  }
0x4e: {  	_ =	shalt  }
0x4f: {  	_ =	shalt  }
0x50: {  	_ =	shalt  }
0x51: {  	_ =	shalt  }
0x52: {  	_ =	shalt  }
0x53: {  	_ =	shalt  }
0x54: {  	_ =	shalt  }
0x55: {  	_ =	shalt  }
0x56: {  	_ =	shalt  }
0x57: {  	_ =	shalt  }
0x58: {  	_ =	shalt  }
0x59: {  	_ =	shalt  }
0x5a: {  	_ =	shalt  }
0x5b: {  	_ =	shalt  }
0x5c: {  	_ =	shalt  }
0x5d: {  	_ =	shalt  }
0x5e: {  	_ =	shalt  }
0x5f: {  	_ =	shalt  }
0x60: {  	_ =	shalt  }
0x61: {  	_ =	shalt  }
0x62: {  	_ =	shalt  }
0x63: {  	_ =	shalt  }
0x64: {  	_ =	shalt  }
0x65: {  	_ =	shalt  }
0x66: {  	_ =	shalt  }
0x67: {  	_ =	shalt  }
0x68: {  	_ =	shalt  }
0x69: {  	_ =	shalt  }
0x6a: {  	_ =	shalt  }
0x6b: {  	_ =	shalt  }
0x6c: {  	_ =	shalt  }
0x6d: {  	_ =	shalt  }
0x6e: {  	_ =	shalt  }
0x6f: {  	_ =	shalt  }
0x70: {  	_ =	shalt  }
0x71: {  	_ =	shalt  }
0x72: {  	_ =	shalt  }
0x73: {  	_ =	shalt  }
0x74: {  	_ =	shalt  }
0x75: {  	_ =	shalt  }
0x76: {  	_ =	shalt  }
0x77: {  	_ =	shalt  }
0x78: {  	_ =	shalt  }
0x79: {  	_ =	shalt  }
0x7a: {  	_ =	shalt  }
0x7b: {  	_ =	shalt  }
0x7c: {  	_ =	shalt  }
0x7d: {  	_ =	shalt  }
0x7e: {  	_ =	shalt  }
0x7f: {  	_ =	shalt  }
0x80: {  	_ =	shalt  }
0x81: {  	_ =	shalt  }
0x82: {  	_ =	shalt  }
0x83: {  	_ =	shalt  }
0x84: {  	_ =	shalt  }
0x85: {  	_ =	shalt  }
0x86: {  	_ =	shalt  }
0x87: {  	_ =	shalt  }
.Lfunc_end0:
.L_simem_size_0:
called_computation_lowered:
.L_overlay_start_0:
0x88: {  	s2 =	sld [smem:$0x3FD9]  }
0x89: {  	s3 =	sld [smem:$0x3FFE];
	_ =	sdelay $0x1  }
0x8a: {  	s1 =	srdreg.scid  }
0x8b: {  	s0 =	sand.u32 $0x1, s1  }
0x8c: {  	s14 =	sshll.u32 s0, $0xA;
	s2 =	sadd.s32 s3, s2  }
0x8d: {  	s2 =	sadd.s32 s2, s14  }
0x8e: {  	[smem:$0x3FC6] =	sst s2  }
0x8f: {  	_ = 	snop  }
0x90: {  	s2 =	sld [smem:$0x3FD0];
	_ =	sdelay $0x2  }
0x91: {  	s4 =	simm.s32 $0xA;
	s5 =	simm.s32 $0x10;
	s15 =	sld [smem:$0x3FC8]  }
0x92: {  	[smem:s5], [sflag:s4] =	dma.local [hbm:s2], $0x1  }
0x93: {  	_ =	swait.eq [sflag:s4], $0x1  }
0x94: {  	[sflag:s4] =	ssyncset.done $0x0  }
0x95: {  	[sflag:s4] =	ssyncadd.s32 $0xFFFFFFFF  }
0x96: {  	s16 =	sld [smem:$0x10];
	(tm) =	ssettm $0x1  }
0x97: {  	s17 =	sld [smem:$0x3FFB];
	_ =	sdelay $0x3  }
0x98: {  	_ =	strace s17  }
0x99: {  	s4 =	sld [smem:$0x3FFC];
	_ =	sdelay $0x3  }
0x9a: {  	_ =	strace s4  }
0x9b: {  	s4 =	sld [smem:$0x3FFD];
	_ =	sdelay $0x3  }
0x9c: {  	_ =	strace s4  }
0x9d: {  	_ =	strace $0x8FFFFFFF  }
0x9e: {  	s18 =	sld [smem:$0x3FDB];
	_ =	sdelay $0x1  }
0x9f: {  	s19 =	simm.s32 $_scs_section_size  }
0xa0: {  	s6 =	simm.s32 $_size__tile_overlayer_lowered;
	s7 =	simm.s32 $_tile_overlayer_lowered  }
0xa1: {  	s22 =	simm.s32 $0x1BFF;
	s21 =	sshll.u32 s7, $0x1;
	s4 =	sadd.s32 s19, s18  }
0xa2: {  	s8 =	simm.s32 $0x0;
	s20 =	sshll.u32 s6, $0x1;
	s6 =	sadd.s32 s21, s4  }
0xa3: {  	[timem:s8], [sflag:s22] =	dma.local [hbm:s6], s20  }
0xa4: {  	_ =	swait.ge [sflag:s22], s20  }
0xa5: {  	s5 =	ssub.s32 $0x0, s20;
	[sflag:s22] =	ssyncset.done $0x0  }
0xa6: {  	[sflag:s22] =	ssyncadd.s32 s5;
	_ =	sdelay $0x1  }
0xa7: {  	s23 =	simm.s32 $0x1B8B  }
0xa8: {  	_ =	swait.ge [sflag:s23], $0x1  }
0xa9: {  	[sflag:s23] =	ssyncset.done $0x0  }
0xaa: {  	s25 =	simm.s32 $0x1B8E;
	s24 =	sld [smem:$0x3FFE];
	[sflag:s23] =	ssyncadd.s32 $0xFFFFFFFF  }
0xab: {  	s26 =	simm.s32 $execute0_lowered;
	[smem:$0x3FD2] =	sst s25  }
0xac: {  	s6 =	sshll.u32 s26, $0x1;
	_ =	strace $0x80000046;
	[dreg:$0x1] =	wrdreg $0xFFFFFFFF  }
0xad: {  	s28 =	simm.s32 $_size_execute0_lowered;
	s4 =	sadd.s32 s4, s6;
	[dreg:$0x0] =	wrdreg $0x0  }
0xae: {  	s6 =	sshll.u32 s28, $0x1;
	[dreg:$0x2] =	wrdreg s4  }
0xaf: {  	[dreg:$0x3] =	wrdreg s6  }
0xb0: {  	[dreg:$0x4] =	wrdreg $0xC0  }
0xb1: {  	_ =	task [dreg:s8], $0x5FFFF  }
0xb2: {  	[dreg:$0x1] =	wrdreg $0xFFFFFFFF  }
0xb3: {  	[dreg:$0x0] =	wrdreg $0x60  }
0xb4: {  	[dreg:$0x2] =	wrdreg s15  }
0xb5: {  	[dreg:$0x3] =	wrdreg s24  }
0xb6: {  	[dreg:$0x4] =	wrdreg s16  }
0xb7: {  	[dreg:$0x5] =	wrdreg $0x9  }
0xb8: {  	_ =	task.clear_ibuf [dreg:s8], $0x6FFFF;
	_ =	strace $0x90000046  }
0xb9: {  	s29 =	simm.s32 $0x9;
	_ =	strace $0x80000048  }
0xba: {  	_ =	swait.ge [sflag:s29], $0x1  }
0xbb: {  	[sflag:s29] =	ssyncadd.s32 $0xFFFFFFFF  }
0xbc: {  	_ =	strace $0x90000048  }
0xbd: {  	_ =	sfence  }
0xbe: {  	s30 =	sld [smem:$0x0];
	_ =	sdelay $0x2  }
0xbf: {  	s31 =	sshll.u32 s1, $0xD;
	s1 =	sshrl.u32 s1, $0x2  }
0xc0: {  	s3 =	sand.u32 $0x4000, s31;
	s1 =	sadd.s32 s1, s30  }
0xc1: {  	s0 =	sor.u32 s3, s0;
	s1 =	sshll.u32 s1, $0x11  }
0xc2: {  	s0 =	sor.u32 s1, s0  }
0xc3: {  	s0 =	sadd.s32 $0x8F2B, s0  }
0xc4: {  	[sflag:s0] =	ssyncadd.remote.s32 $0x1  }
0xc5: {  	_ =	sfence.sel $0xFFFF  }
0xc6: {  	[dreg:$0x0] =	wrdreg $0xFFFFFFFF;
	(pc) =	sbr.abs _section_cstart, $3  }
0xc7: {  	[dreg:$0x1] =	wrdreg $0xFFFFFFFF  }
0xc8: {  	_ =	task.clear_ibuf [dreg:s8], $0x2FFFF;
	_ =	strace $0x9FFFFFFF  }
0xc9: {  	(tm) =	ssettm $0x7FFFFFFF  }
tec
execute0_lowered:
.L_overlay_start_1:
0x0: {  	(tag) =	ssettag $0x1  }
0x1: {  	s1 =	srdreg.scid;
	s0 =	stileid.u32  }
0x2: {  	s2 =	rddreg [dreg:$0x0];
	s6 =	sand.u32 $0x1, s1;
	s30 =	sshll.u32 s0, $0x1  }
0x3: {  	s4 =	rddreg [dreg:$0x1];
	s9 =	sor.u32 s6, s30  }
0x4: {  	s10 =	rddreg [dreg:$0x2];
	s3 =	simm.s32 $0x0;
	s5 =	smul.u32 $0xC, s9  }
0x5: {  	[smem:$0x7FF] =	sst s3  }
0x6: {  	s1 =	rddreg [dreg:$0x3];
	_ =	strace $0x80000047;
	s4 =	sadd.s32 s5, s4  }
0x7: {  	s11 =	ssub.s32 $0x2, s6;
	s5 =	sadd.s32 $0x800, s4;
	s4 =	simm.s32 $0x2  }
0x8: {  	[tilespmem:s3], [sflag:$0x2] =	stream.linear.gather [hbm4b:s5+s3], $0x60, $0x38;
	[tilespmem:$0x3080] =	vst v63  }
0x9: {  	s7 =	simm.s32 $0x80;
	s12 =	sshrl.u32 s11, $0x1;
	_ =	swait.ge [sflag:s4], $0x60  }
0xa: {  	s8 =	simm.s32 $0x1;
	s11 =	ssub.s32 s11, s12;
	[sflag:s4] =	ssyncset.done $0x0  }
0xb: {  	s6 =	simm.s32 $0x60;
	s31 =	smax.u32 s11, $0x1;
	[sflag:s4] =	ssyncadd.s32 $0xFFFFFFA0  }
0xc: {  	[tilespmem:s7], [sflag:$0x1] =	stream.indirect.gather [hbm4b:s2+s6], $0x80, s3, s6, $0xb8;
	[tilespmem:$0x3080] =	vst v63  }
0xd: {  	s9 =	smul.u32 $0x600, s9;
	p0 =	sne.s32 s31, $0x1;
	_ =	swait.ge [sflag:s8], $0x3000  }
.Ltmp0:
0xe: {  	[sflag:s8] =	ssyncset.done $0x0;
	(pc) =	sbr.rel @!p0 .LBB2_2-.Ltmp0, $4  }
0xf: {  	s9 =	sadd.s32 s10, s9;
	[sflag:s8] =	ssyncadd.s32 $0xFFFFD000  }
0x10: {  	[hbm4b:s9+s3] =	stream.linear.scatter [tilespmem:s7], [sflag:$0x2], $0x3000, $0x38;
	[tilespmem:$0x3080] =	vst v63  }
0x11: {  	_ =	swait.ge [sflag:s4], $0x3000  }
0x12: {  	s10 =	sadd.s32 $0xFFFFFFFF, s31;
	[sflag:s4] =	ssyncset.done $0x0  }
.LBB2_1:
0x13: {  	p0 =	sne.s32 s10, $0x1;
	s10 =	sadd.s32 $0xFFFFFFFF, s10;
	[sflag:s4] =	ssyncadd.s32 $0xFFFFD000  }
0x14: {  	[tilespmem:s3], [sflag:$0x2] =	stream.linear.gather [hbm4b:s5+s3], $0x60, $0x38;
	[tilespmem:$0x3080] =	vst v63  }
0x15: {  	_ =	swait.ge [sflag:s4], $0x60  }
0x16: {  	[sflag:s4] =	ssyncset.done $0x0  }
0x17: {  	[sflag:s4] =	ssyncadd.s32 $0xFFFFFFA0  }
0x18: {  	[tilespmem:s7], [sflag:$0x1] =	stream.indirect.gather [hbm4b:s2+s6], $0x80, s3, s6, $0xb8;
	[tilespmem:$0x3080] =	vst v63  }
0x19: {  	_ =	swait.ge [sflag:s8], $0x3000  }
.Ltmp1:
0x1a: {  	[sflag:s8] =	ssyncset.done $0x0;
	(pc) =	sbr.rel @p0 .LBB2_1-.Ltmp1, $4  }
0x1b: {  	[sflag:s8] =	ssyncadd.s32 $0xFFFFD000  }
0x1c: {  	[hbm4b:s9+s3] =	stream.linear.scatter [tilespmem:s7], [sflag:$0x2], $0x3000, $0x38;
	[tilespmem:$0x3080] =	vst v63  }
0x1d: {  	_ =	swait.ge [sflag:s4], $0x3000  }
0x1e: {  	[sflag:s4] =	ssyncset.done $0x0  }
.LBB2_2:
0x1f: {  	[sflag:s4] =	ssyncadd.s32 $0xFFFFD000  }
0x20: {  	_ =	sfence.sel $0x180000  }
0x21: {  	[bflag:$0x0] =	sbarrier.arrive $0xFFFF  }
0x22: {  	p0 =	sne.s32 s0, $0x0;
	_ =	strace $0x90000047  }
0x23: {  	s0 =	sadd.s32 @!p0 $0x100000, s1;
	[bflag:$0x2] =	sbarrier.arrive $0xFFFF  }
0x24: {  	[sflag:s0] =	ssyncadd.tile.s32 @!p0 $0x1;
	_ =	shalt  }
.Lfunc_end2:
_tile_overlayer_lowered:
.L_overlay_start_2:
0x25: {  	(tag) =	ssettag $0x2  }
0x26: {  	s0 =	rddreg [dreg:$0x0];
	s2 =	stileid.u32  }
0x27: {  	s1 =	rddreg [dreg:$0x1];
	p0 =	sne.s32 s2, $0x0  }
0x28: {  	s3 =	rddreg [dreg:$0x2];
	[bflag:$0x3] =	sbarrier.arrive $0xFFFF;
	s2 =	simm.s32 @!p0 $0x1C02  }
0x29: {  	[timem:s3], [sflag:s2] =	dma.local @!p0 [hbm:s0], s1  }
0x2a: {  	s0 =	simm.s32 @!p0 $0x2  }
0x2b: {  	_ =	swait.ge @!p0 [sflag:s0], s1  }
0x2c: {  	s1 =	ssub.s32 @!p0 $0x0, s1;
	[sflag:s0] =	ssyncset.done @!p0 $0x0  }
0x2d: {  	[sflag:s0] =	ssyncadd.s32 @!p0 s1  }
0x2e: {  	[bflag:$0x3] =	sbarrier.arrive $0xFFFF  }
0x2f: {  	_ =	shalt  }

</sc_bundles>
